<compile_context>
chip_gen: v7x
topology: tpu7x:2x2x1
jax: 0.10.2.dev20260603
libtpu: 0.0.44.dev20260713+nightly
codegen_flags: <defaults>
</compile_context>

<pallas_src>
import functools
import math

import jax
import jax.numpy as jnp
import numpy as np
from jax import lax
from jax.experimental import pallas as pl
from jax.experimental.pallas import tpu as pltpu
from jax.experimental.pallas import tpu_sc as plsc

_THETA = 2.0
_CX = 300
_CY = 250
_LINE_WIDTH = 25
_COLOR = np.array([0.37, 0.12, 0.88], dtype=np.float32) * 0.2
_MASK_FILL = np.array([0.5, 0.5, 0.0], dtype=np.float32)

_H = 512
_W = 512
_LINE_LEN_I = int(math.hypot(_H, _W))
_DX = int(math.cos(_THETA) * _LINE_LEN_I)
_DY = int(math.sin(_THETA) * _LINE_LEN_I)
_X0 = _CX - _DX // 2
_Y0 = _CY - _DY // 2
_X1 = _CX + _DX // 2
_Y1 = _CY + _DY // 2
_VX = _X1 - _X0
_VY = _Y1 - _Y0
_L32 = np.float32(np.sqrt(np.float32(np.float32(_VX) ** 2 + np.float32(_VY) ** 2)))
_L2 = np.float32(_L32 * _L32)
_RATIO = np.float32(_VX) / np.float32(_VY)

_BH = 256



def _img_kernel(img_ref, img_out_ref):
    i = pl.program_id(0)
    x0f = jnp.float32(_X0)
    vx = jnp.float32(_VX)
    vy = jnp.float32(_VY)
    line_len = jnp.float32(_L32)

    yy = jax.lax.broadcasted_iota(jnp.int32, (_BH, _W), 0)
    xx = jax.lax.broadcasted_iota(jnp.int32, (_BH, _W), 1)
    py = (yy + (i * _BH - _Y0)).astype(jnp.float32)
    px = xx.astype(jnp.float32) - x0f
    cross = vy * px - vx * py
    dist = jnp.abs(cross) / line_len
    dot = (px * vx + py * vy) / (line_len * line_len)
    band = (dist <= jnp.float32(_LINE_WIDTH / 2)) & (dot >= 0) & (dot <= 1)
    for c in range(3):
        img_out_ref[c] = jnp.where(band, jnp.float32(_COLOR[c]), img_ref[c])



_NROWS = 3 * _H
_NTILES = 32
_RPT = _NROWS // _NTILES

_sc_mesh = plsc.VectorSubcoreMesh(core_axis_name="c", subcore_axis_name="s")


@functools.partial(
    pl.kernel,
    out_type=jax.ShapeDtypeStruct((_NROWS, _W), jnp.float32),
    mesh=_sc_mesh,
    scratch_types=[pltpu.VMEM((_RPT, _W), jnp.float32)],
)
def _sc_mask_fill(mask_hbm, out_hbm, chunk):
    wid = lax.axis_index("s") * 2 + lax.axis_index("c")
    base_row = wid * _RPT
    pltpu.sync_copy(mask_hbm.at[pl.ds(base_row, _RPT)], chunk)

    def body(j, carry):
        gr = base_row + j
        ch = gr >> 9
        y = gr - (ch << 9)
        fill = jnp.where(ch == 2, jnp.float32(0.0), jnp.float32(0.5))
        pyf = (y - _Y0).astype(jnp.float32)
        cxr = jnp.float32(_X0) + pyf * _RATIO
        wbase = jnp.clip(((cxr.astype(jnp.int32) - 14) >> 4) << 4, 0, _W - 48)
        wbase = pl.multiple_of(wbase, 16)
        for w in range(3):
            sl = pl.ds(wbase + w * 16, 16)
            xs = (wbase + w * 16) + lax.iota(jnp.int32, 16)
            px = xs.astype(jnp.float32) - jnp.float32(_X0)
            cross = jnp.float32(_VY) * px - jnp.float32(_VX) * pyf
            dist = jnp.abs(cross) / _L32
            dot = (px * jnp.float32(_VX) + pyf * jnp.float32(_VY)) / _L2
            band = (dist <= jnp.float32(_LINE_WIDTH / 2)) & (dot >= 0) & (dot <= 1)
            chunk[j, sl] = jnp.where(band, fill, chunk[j, sl])
        return carry

    lax.fori_loop(0, _RPT, body, 0)
    pltpu.sync_copy(chunk, out_hbm.at[pl.ds(base_row, _RPT)])


def kernel(img, mask):
    C, H, W = img.shape
    spec = pl.BlockSpec((C, _BH, W), lambda i: (0, i, 0))
    img_out = pl.pallas_call(
        _img_kernel,
        grid=(H // _BH,),
        in_specs=[spec],
        out_specs=spec,
        out_shape=jax.ShapeDtypeStruct(img.shape, img.dtype),
    )(img)
    mask_out = _sc_mask_fill(mask.reshape(_NROWS, _W)).reshape(C, H, W)
    return (img_out, mask_out)

# --- scband reference (transcript-rebuilt; emitter-appended) ---
"""Pipeline reference for scband-random-line-23244363006382 (READ-ONLY COPY).

The authoritative reference and input builder live on the scoring server;
editing this copy changes nothing except your own understanding.
"""

import math
import jax, jax.numpy as jnp
import numpy as np

# Frozen 'random' draws so the reference is deterministic (module uses python random).
_THETA = 2.0
_CX = 300
_CY = 250
_LINE_WIDTH = 25
_COLOR = np.array([0.37, 0.12, 0.88], dtype=np.float32) * 0.2


def setup_inputs(seed: int = 0) -> dict:
    key = jax.random.key(seed)
    k1, k2 = jax.random.split(key, 2)
    img = jax.random.uniform(k1, (3, 512, 512), dtype=jnp.float32)
    mask = jax.random.uniform(k2, (3, 512, 512), dtype=jnp.float32)
    return {"img": img, "mask": mask}


def reference(img, mask):
    C, H, W = img.shape
    theta = _THETA
    cx = _CX
    cy = _CY
    line_len_i = int(math.hypot(H, W))
    dx = int(math.cos(theta) * line_len_i)
    dy = int(math.sin(theta) * line_len_i)
    x0 = cx - dx // 2
    y0 = cy - dy // 2
    x1 = cx + dx // 2
    y1 = cy + dy // 2
    yy, xx = jnp.meshgrid(jnp.arange(H), jnp.arange(W), indexing='ij')
    line_vec = jnp.array([x1 - x0, y1 - y0], dtype=jnp.float32)
    line_len = jnp.linalg.norm(line_vec)
    px = (xx - x0).astype(jnp.float32)
    py = (yy - y0).astype(jnp.float32)
    cross = line_vec[1] * px - line_vec[0] * py
    dist = jnp.abs(cross) / line_len
    dot = (px * line_vec[0] + py * line_vec[1]) / line_len ** 2
    within_segment = (dot >= 0) & (dot <= 1)
    mask_line = (dist <= _LINE_WIDTH / 2) & within_segment
    color = jnp.asarray(_COLOR)[:, None, None]
    mask_fill = jnp.array([0.5, 0.5, 0.0], dtype=jnp.float32)[:, None, None]
    img_out = jnp.where(mask_line[None, :, :], color, img)
    mask_out = jnp.where(mask_line[None, :, :], mask_fill, mask)
    return (img_out, mask_out)

if __name__ == "__main__":
    import jax
    _d = setup_inputs()
    print(jax.jit(kernel)(*tuple(_d.values())))

</pallas_src>

<mosaic_0001>
#map = affine_map<(d0, d1) -> (0, 0)>
module attributes {stable_mosaic.version = 14 : i64} {
  func.func @_sc_mask_fill(%arg0: i32, %arg1: i32, %arg2: memref<1536x512xf32, #tpu.memory_space<hbm>>, %arg3: memref<1536x512xf32, #tpu.memory_space<hbm>>, %arg4: memref<48x512xf32, #tpu.memory_space<vmem>>) attributes {dimension_semantics = [#tpu.dimension_semantics<core_parallel>, #tpu.dimension_semantics<subcore_parallel>], iteration_bounds = array<i64: 2, 16>, scalar_prefetch = 0 : i64, scratch_operands = 1 : i64, tpu.core_type = #tpu.core_type<sc_vector_subcore>, window_params = [{transform_indices = #map}, {transform_indices = #map}]} {
    %mul3A = arith.constant 2 : i32
    %mul3A_0 = arith.muli %arg1, %mul3A : i32
    %add3A = arith.addi %mul3A_0, %arg0 : i32
    %mul3A_1 = arith.constant 48 : i32
    %mul3A_2 = arith.muli %add3A, %mul3A_1 : i32
    "tpu.region"() ({
      %run_scoped3A = tpu.sem_alloc : memref<!tpu.dma_semaphore, #tpu.memory_space<semaphore_mem>>
      %dma_start3A = arith.constant 0 : i32
      %dma_start3A_8 = tpu.memref_slice %arg2[%mul3A_2, %dma_start3A] : memref<1536x512xf32, #tpu.memory_space<hbm>> -> memref<48x512xf32, #tpu.memory_space<hbm>>
      %dma_start3A_9 = arith.constant 0 : i32
      %dma_start3A_10 = tpu.memref_slice %arg2[%mul3A_2, %dma_start3A_9] : memref<1536x512xf32, #tpu.memory_space<hbm>> -> memref<48x512xf32, #tpu.memory_space<hbm>>
      tpu.enqueue_dma source(%dma_start3A_10 : memref<48x512xf32, #tpu.memory_space<hbm>>) target(%arg4 : memref<48x512xf32, #tpu.memory_space<vmem>>) target_semaphore(%run_scoped3A : memref<!tpu.dma_semaphore, #tpu.memory_space<semaphore_mem>>)
      %dma_wait3A = arith.constant 0 : i32
      %dma_wait3A_11 = tpu.memref_slice %arg2[%mul3A_2, %dma_wait3A] : memref<1536x512xf32, #tpu.memory_space<hbm>> -> memref<48x512xf32, #tpu.memory_space<hbm>>
      %dma_wait3A_12 = arith.constant 0 : i32
      %dma_wait3A_13 = tpu.memref_slice %arg2[%mul3A_2, %dma_wait3A_12] : memref<1536x512xf32, #tpu.memory_space<hbm>> -> memref<48x512xf32, #tpu.memory_space<hbm>>
      tpu.wait_dma2 semaphore(%run_scoped3A : memref<!tpu.dma_semaphore, #tpu.memory_space<semaphore_mem>>) src(%dma_wait3A_13 : memref<48x512xf32, #tpu.memory_space<hbm>>) dst(%arg4 : memref<48x512xf32, #tpu.memory_space<vmem>>)
      tpu.yield
    }) : () -> ()
    %scan3A = arith.constant 0 : i32
    %scan3A_3 = arith.constant 0 : i32
    %scan3A_4 = arith.constant 48 : i32
    %scan3A_5 = arith.addi %scan3A_3, %scan3A_4 : i32
    %scan3A_6 = arith.constant 1 : i32
    scf.for %scan3A_8 = %scan3A_3 to %scan3A_5 step %scan3A_6  : i32 {
      %add3A_9 = arith.addi %mul3A_2, %scan3A_8 : i32
      %shift_right_arithmetic3A = arith.constant 9 : i32
      %shift_right_arithmetic3A_10 = arith.shrsi %add3A_9, %shift_right_arithmetic3A : i32
      %shift_left3A = arith.constant 9 : i32
      %shift_left3A_11 = arith.shli %shift_right_arithmetic3A_10, %shift_left3A : i32
      %sub3A = arith.subi %add3A_9, %shift_left3A_11 : i32
      %eq3A = arith.constant 2 : i32
      %eq3A_12 = arith.cmpi eq, %shift_right_arithmetic3A_10, %eq3A : i32
      %jit3A = arith.constant 0.000000e+00 : f32
      %jit3A_13 = arith.constant 5.000000e-01 : f32
      %select_n3A = arith.select %eq3A_12, %jit3A, %jit3A_13 : f32
      %sub3A_14 = arith.constant -79 : i32
      %sub3A_15 = arith.subi %sub3A, %sub3A_14 : i32
      %convert_element_type3A = arith.sitofp %sub3A_15 : i32 to f32
      %mul3A_16 = arith.constant -0.458966553 : f32
      %mul3A_17 = arith.mulf %convert_element_type3A, %mul3A_16 : f32
      %add3A_18 = arith.constant 4.510000e+02 : f32
      %add3A_19 = arith.addf %add3A_18, %mul3A_17 : f32
      %convert_element_type3A_20 = arith.fptosi %add3A_19 : f32 to i32
      %sub3A_21 = arith.constant 14 : i32
      %sub3A_22 = arith.subi %convert_element_type3A_20, %sub3A_21 : i32
      %shift_right_arithmetic3A_23 = arith.constant 4 : i32
      %shift_right_arithmetic3A_24 = arith.shrsi %sub3A_22, %shift_right_arithmetic3A_23 : i32
      %shift_left3A_25 = arith.constant 4 : i32
      %shift_left3A_26 = arith.shli %shift_right_arithmetic3A_24, %shift_left3A_25 : i32
      %jit3A_27 = arith.constant 0 : i32
      %jit3A_28 = arith.constant 464 : i32
      %max3A = arith.maxsi %jit3A_27, %shift_left3A_26 : i32
      %min3A = arith.minsi %jit3A_28, %max3A : i32
      %multiple_of3A = tpu.assume_multiple %min3A, 16 : i32
      %add3A_29 = arith.constant 0 : i32
      %add3A_30 = arith.addi %multiple_of3A, %add3A_29 : i32
      %add3A_31 = arith.constant 0 : i32
      %add3A_32 = arith.addi %multiple_of3A, %add3A_31 : i32
      %iota3A = tpu.iota {dimensions = array<i32: 0>} : vector<16xi32>
      %add3A_33 = vector.broadcast %add3A_32 : i32 to vector<16xi32>
      %add3A_34 = arith.addi %add3A_33, %iota3A : vector<16xi32>
      %convert_element_type3A_35 = arith.sitofp %add3A_34 : vector<16xi32> to vector<16xf32>
      %sub3A_36 = arith.constant 4.510000e+02 : f32
      %sub3A_37 = vector.broadcast %sub3A_36 : f32 to vector<16xf32>
      %sub3A_38 = arith.subf %convert_element_type3A_35, %sub3A_37 : vector<16xf32>
      %mul3A_39 = arith.constant 6.580000e+02 : f32
      %mul3A_40 = vector.broadcast %mul3A_39 : f32 to vector<16xf32>
      %mul3A_41 = arith.mulf %mul3A_40, %sub3A_38 : vector<16xf32>
      %mul3A_42 = arith.constant -3.020000e+02 : f32
      %mul3A_43 = arith.mulf %mul3A_42, %convert_element_type3A : f32
      %sub3A_44 = vector.broadcast %mul3A_43 : f32 to vector<16xf32>
      %sub3A_45 = arith.subf %mul3A_41, %sub3A_44 : vector<16xf32>
      %abs3A = math.absf %sub3A_45 : vector<16xf32>
      %div3A = arith.constant 723.994445 : f32
      %div3A_46 = vector.broadcast %div3A : f32 to vector<16xf32>
      %div3A_47 = arith.divf %abs3A, %div3A_46 : vector<16xf32>
      %mul3A_48 = arith.constant -3.020000e+02 : f32
      %mul3A_49 = vector.broadcast %mul3A_48 : f32 to vector<16xf32>
      %mul3A_50 = arith.mulf %sub3A_38, %mul3A_49 : vector<16xf32>
      %mul3A_51 = arith.constant 6.580000e+02 : f32
      %mul3A_52 = arith.mulf %convert_element_type3A, %mul3A_51 : f32
      %add3A_53 = vector.broadcast %mul3A_52 : f32 to vector<16xf32>
      %add3A_54 = arith.addf %mul3A_50, %add3A_53 : vector<16xf32>
      %div3A_55 = arith.constant 524167.969 : f32
      %div3A_56 = vector.broadcast %div3A_55 : f32 to vector<16xf32>
      %div3A_57 = arith.divf %add3A_54, %div3A_56 : vector<16xf32>
      %le3A = arith.constant 1.250000e+01 : f32
      %le3A_58 = vector.broadcast %le3A : f32 to vector<16xf32>
      %le3A_59 = arith.cmpf ole, %div3A_47, %le3A_58 : vector<16xf32>
      %ge3A = arith.constant 0.000000e+00 : f32
      %ge3A_60 = vector.broadcast %ge3A : f32 to vector<16xf32>
      %ge3A_61 = arith.cmpf oge, %div3A_57, %ge3A_60 : vector<16xf32>
      %and3A = arith.andi %le3A_59, %ge3A_61 : vector<16xi1>
      %le3A_62 = arith.constant 1.000000e+00 : f32
      %le3A_63 = vector.broadcast %le3A_62 : f32 to vector<16xf32>
      %le3A_64 = arith.cmpf ole, %div3A_57, %le3A_63 : vector<16xf32>
      %and3A_65 = arith.andi %and3A, %le3A_64 : vector<16xi1>
      %get3A = arith.index_cast %scan3A_8 : i32 to index
      %get3A_66 = arith.index_cast %add3A_30 : i32 to index
      %get3A_67 = tpu.vector_load %arg4[%get3A, %get3A_66] {strides = array<i32>} : memref<48x512xf32, #tpu.memory_space<vmem>>, vector<1x16xf32>,
      %get3A_68 = vector.shape_cast %get3A_67 : vector<1x16xf32> to vector<16xf32>
      %broadcast_in_dim3A = vector.broadcast %select_n3A : f32 to vector<16xf32>
      %select_n3A_69 = arith.select %and3A_65, %broadcast_in_dim3A, %get3A_68 : vector<16xi1>, vector<16xf32>
      %swap3A = arith.index_cast %scan3A_8 : i32 to index
      %swap3A_70 = arith.index_cast %add3A_30 : i32 to index
      %swap3A_71 = tpu.vector_load %arg4[%swap3A, %swap3A_70] {strides = array<i32>} : memref<48x512xf32, #tpu.memory_space<vmem>>, vector<1x16xf32>,
      %swap3A_72 = vector.shape_cast %swap3A_71 : vector<1x16xf32> to vector<16xf32>
      %swap3A_73 = vector.shape_cast %select_n3A_69 : vector<16xf32> to vector<1x16xf32>
      tpu.vector_store %arg4[%swap3A, %swap3A_70], %swap3A_73 {strides = array<i32>} : memref<48x512xf32, #tpu.memory_space<vmem>>, vector<1x16xf32>,
      %add3A_74 = arith.constant 16 : i32
      %add3A_75 = arith.addi %multiple_of3A, %add3A_74 : i32
      %add3A_76 = arith.constant 16 : i32
      %add3A_77 = arith.addi %multiple_of3A, %add3A_76 : i32
      %iota3A_78 = tpu.iota {dimensions = array<i32: 0>} : vector<16xi32>
      %add3A_79 = vector.broadcast %add3A_77 : i32 to vector<16xi32>
      %add3A_80 = arith.addi %add3A_79, %iota3A_78 : vector<16xi32>
      %convert_element_type3A_81 = arith.sitofp %add3A_80 : vector<16xi32> to vector<16xf32>
      %sub3A_82 = arith.constant 4.510000e+02 : f32
      %sub3A_83 = vector.broadcast %sub3A_82 : f32 to vector<16xf32>
      %sub3A_84 = arith.subf %convert_element_type3A_81, %sub3A_83 : vector<16xf32>
      %mul3A_85 = arith.constant 6.580000e+02 : f32
      %mul3A_86 = vector.broadcast %mul3A_85 : f32 to vector<16xf32>
      %mul3A_87 = arith.mulf %mul3A_86, %sub3A_84 : vector<16xf32>
      %mul3A_88 = arith.constant -3.020000e+02 : f32
      %mul3A_89 = arith.mulf %mul3A_88, %convert_element_type3A : f32
      %sub3A_90 = vector.broadcast %mul3A_89 : f32 to vector<16xf32>
      %sub3A_91 = arith.subf %mul3A_87, %sub3A_90 : vector<16xf32>
      %abs3A_92 = math.absf %sub3A_91 : vector<16xf32>
      %div3A_93 = arith.constant 723.994445 : f32
      %div3A_94 = vector.broadcast %div3A_93 : f32 to vector<16xf32>
      %div3A_95 = arith.divf %abs3A_92, %div3A_94 : vector<16xf32>
      %mul3A_96 = arith.constant -3.020000e+02 : f32
      %mul3A_97 = vector.broadcast %mul3A_96 : f32 to vector<16xf32>
      %mul3A_98 = arith.mulf %sub3A_84, %mul3A_97 : vector<16xf32>
      %mul3A_99 = arith.constant 6.580000e+02 : f32
      %mul3A_100 = arith.mulf %convert_element_type3A, %mul3A_99 : f32
      %add3A_101 = vector.broadcast %mul3A_100 : f32 to vector<16xf32>
      %add3A_102 = arith.addf %mul3A_98, %add3A_101 : vector<16xf32>
      %div3A_103 = arith.constant 524167.969 : f32
      %div3A_104 = vector.broadcast %div3A_103 : f32 to vector<16xf32>
      %div3A_105 = arith.divf %add3A_102, %div3A_104 : vector<16xf32>
      %le3A_106 = arith.constant 1.250000e+01 : f32
      %le3A_107 = vector.broadcast %le3A_106 : f32 to vector<16xf32>
      %le3A_108 = arith.cmpf ole, %div3A_95, %le3A_107 : vector<16xf32>
      %ge3A_109 = arith.constant 0.000000e+00 : f32
      %ge3A_110 = vector.broadcast %ge3A_109 : f32 to vector<16xf32>
      %ge3A_111 = arith.cmpf oge, %div3A_105, %ge3A_110 : vector<16xf32>
      %and3A_112 = arith.andi %le3A_108, %ge3A_111 : vector<16xi1>
      %le3A_113 = arith.constant 1.000000e+00 : f32
      %le3A_114 = vector.broadcast %le3A_113 : f32 to vector<16xf32>
      %le3A_115 = arith.cmpf ole, %div3A_105, %le3A_114 : vector<16xf32>
      %and3A_116 = arith.andi %and3A_112, %le3A_115 : vector<16xi1>
      %get3A_117 = arith.index_cast %scan3A_8 : i32 to index
      %get3A_118 = arith.index_cast %add3A_75 : i32 to index
      %get3A_119 = tpu.vector_load %arg4[%get3A_117, %get3A_118] {strides = array<i32>} : memref<48x512xf32, #tpu.memory_space<vmem>>, vector<1x16xf32>,
      %get3A_120 = vector.shape_cast %get3A_119 : vector<1x16xf32> to vector<16xf32>
      %broadcast_in_dim3A_121 = vector.broadcast %select_n3A : f32 to vector<16xf32>
      %select_n3A_122 = arith.select %and3A_116, %broadcast_in_dim3A_121, %get3A_120 : vector<16xi1>, vector<16xf32>
      %swap3A_123 = arith.index_cast %scan3A_8 : i32 to index
      %swap3A_124 = arith.index_cast %add3A_75 : i32 to index
      %swap3A_125 = tpu.vector_load %arg4[%swap3A_123, %swap3A_124] {strides = array<i32>} : memref<48x512xf32, #tpu.memory_space<vmem>>, vector<1x16xf32>,
      %swap3A_126 = vector.shape_cast %swap3A_125 : vector<1x16xf32> to vector<16xf32>
      %swap3A_127 = vector.shape_cast %select_n3A_122 : vector<16xf32> to vector<1x16xf32>
      tpu.vector_store %arg4[%swap3A_123, %swap3A_124], %swap3A_127 {strides = array<i32>} : memref<48x512xf32, #tpu.memory_space<vmem>>, vector<1x16xf32>,
      %add3A_128 = arith.constant 32 : i32
      %add3A_129 = arith.addi %multiple_of3A, %add3A_128 : i32
      %add3A_130 = arith.constant 32 : i32
      %add3A_131 = arith.addi %multiple_of3A, %add3A_130 : i32
      %iota3A_132 = tpu.iota {dimensions = array<i32: 0>} : vector<16xi32>
      %add3A_133 = vector.broadcast %add3A_131 : i32 to vector<16xi32>
      %add3A_134 = arith.addi %add3A_133, %iota3A_132 : vector<16xi32>
      %convert_element_type3A_135 = arith.sitofp %add3A_134 : vector<16xi32> to vector<16xf32>
      %sub3A_136 = arith.constant 4.510000e+02 : f32
      %sub3A_137 = vector.broadcast %sub3A_136 : f32 to vector<16xf32>
      %sub3A_138 = arith.subf %convert_element_type3A_135, %sub3A_137 : vector<16xf32>
      %mul3A_139 = arith.constant 6.580000e+02 : f32
      %mul3A_140 = vector.broadcast %mul3A_139 : f32 to vector<16xf32>
      %mul3A_141 = arith.mulf %mul3A_140, %sub3A_138 : vector<16xf32>
      %mul3A_142 = arith.constant -3.020000e+02 : f32
      %mul3A_143 = arith.mulf %mul3A_142, %convert_element_type3A : f32
      %sub3A_144 = vector.broadcast %mul3A_143 : f32 to vector<16xf32>
      %sub3A_145 = arith.subf %mul3A_141, %sub3A_144 : vector<16xf32>
      %abs3A_146 = math.absf %sub3A_145 : vector<16xf32>
      %div3A_147 = arith.constant 723.994445 : f32
      %div3A_148 = vector.broadcast %div3A_147 : f32 to vector<16xf32>
      %div3A_149 = arith.divf %abs3A_146, %div3A_148 : vector<16xf32>
      %mul3A_150 = arith.constant -3.020000e+02 : f32
      %mul3A_151 = vector.broadcast %mul3A_150 : f32 to vector<16xf32>
      %mul3A_152 = arith.mulf %sub3A_138, %mul3A_151 : vector<16xf32>
      %mul3A_153 = arith.constant 6.580000e+02 : f32
      %mul3A_154 = arith.mulf %convert_element_type3A, %mul3A_153 : f32
      %add3A_155 = vector.broadcast %mul3A_154 : f32 to vector<16xf32>
      %add3A_156 = arith.addf %mul3A_152, %add3A_155 : vector<16xf32>
      %div3A_157 = arith.constant 524167.969 : f32
      %div3A_158 = vector.broadcast %div3A_157 : f32 to vector<16xf32>
      %div3A_159 = arith.divf %add3A_156, %div3A_158 : vector<16xf32>
      %le3A_160 = arith.constant 1.250000e+01 : f32
      %le3A_161 = vector.broadcast %le3A_160 : f32 to vector<16xf32>
      %le3A_162 = arith.cmpf ole, %div3A_149, %le3A_161 : vector<16xf32>
      %ge3A_163 = arith.constant 0.000000e+00 : f32
      %ge3A_164 = vector.broadcast %ge3A_163 : f32 to vector<16xf32>
      %ge3A_165 = arith.cmpf oge, %div3A_159, %ge3A_164 : vector<16xf32>
      %and3A_166 = arith.andi %le3A_162, %ge3A_165 : vector<16xi1>
      %le3A_167 = arith.constant 1.000000e+00 : f32
      %le3A_168 = vector.broadcast %le3A_167 : f32 to vector<16xf32>
      %le3A_169 = arith.cmpf ole, %div3A_159, %le3A_168 : vector<16xf32>
      %and3A_170 = arith.andi %and3A_166, %le3A_169 : vector<16xi1>
      %get3A_171 = arith.index_cast %scan3A_8 : i32 to index
      %get3A_172 = arith.index_cast %add3A_129 : i32 to index
      %get3A_173 = tpu.vector_load %arg4[%get3A_171, %get3A_172] {strides = array<i32>} : memref<48x512xf32, #tpu.memory_space<vmem>>, vector<1x16xf32>,
      %get3A_174 = vector.shape_cast %get3A_173 : vector<1x16xf32> to vector<16xf32>
      %broadcast_in_dim3A_175 = vector.broadcast %select_n3A : f32 to vector<16xf32>
      %select_n3A_176 = arith.select %and3A_170, %broadcast_in_dim3A_175, %get3A_174 : vector<16xi1>, vector<16xf32>
      %swap3A_177 = arith.index_cast %scan3A_8 : i32 to index
      %swap3A_178 = arith.index_cast %add3A_129 : i32 to index
      %swap3A_179 = tpu.vector_load %arg4[%swap3A_177, %swap3A_178] {strides = array<i32>} : memref<48x512xf32, #tpu.memory_space<vmem>>, vector<1x16xf32>,
      %swap3A_180 = vector.shape_cast %swap3A_179 : vector<1x16xf32> to vector<16xf32>
      %swap3A_181 = vector.shape_cast %select_n3A_176 : vector<16xf32> to vector<1x16xf32>
      tpu.vector_store %arg4[%swap3A_177, %swap3A_178], %swap3A_181 {strides = array<i32>} : memref<48x512xf32, #tpu.memory_space<vmem>>, vector<1x16xf32>,
    }
    %scan3A_7 = arith.constant 48 : i32
    "tpu.region"() ({
      %run_scoped3A = tpu.sem_alloc : memref<!tpu.dma_semaphore, #tpu.memory_space<semaphore_mem>>
      %dma_start3A = arith.constant 0 : i32
      %dma_start3A_8 = tpu.memref_slice %arg3[%mul3A_2, %dma_start3A] : memref<1536x512xf32, #tpu.memory_space<hbm>> -> memref<48x512xf32, #tpu.memory_space<hbm>>
      %dma_start3A_9 = arith.constant 0 : i32
      %dma_start3A_10 = tpu.memref_slice %arg3[%mul3A_2, %dma_start3A_9] : memref<1536x512xf32, #tpu.memory_space<hbm>> -> memref<48x512xf32, #tpu.memory_space<hbm>>
      tpu.enqueue_dma source(%arg4 : memref<48x512xf32, #tpu.memory_space<vmem>>) target(%dma_start3A_10 : memref<48x512xf32, #tpu.memory_space<hbm>>) target_semaphore(%run_scoped3A : memref<!tpu.dma_semaphore, #tpu.memory_space<semaphore_mem>>)
      %dma_wait3A = arith.constant 0 : i32
      %dma_wait3A_11 = tpu.memref_slice %arg3[%mul3A_2, %dma_wait3A] : memref<1536x512xf32, #tpu.memory_space<hbm>> -> memref<48x512xf32, #tpu.memory_space<hbm>>
      %dma_wait3A_12 = arith.constant 0 : i32
      %dma_wait3A_13 = tpu.memref_slice %arg3[%mul3A_2, %dma_wait3A_12] : memref<1536x512xf32, #tpu.memory_space<hbm>> -> memref<48x512xf32, #tpu.memory_space<hbm>>
      tpu.wait_dma2 semaphore(%run_scoped3A : memref<!tpu.dma_semaphore, #tpu.memory_space<semaphore_mem>>) src(%arg4 : memref<48x512xf32, #tpu.memory_space<vmem>>) dst(%dma_wait3A_13 : memref<48x512xf32, #tpu.memory_space<hbm>>)
      tpu.yield
    }) : () -> ()
    return
  }
}

module attributes {stable_mosaic.version = 14 : i64} {
  func.func @_img_kernel(%arg0: i32, %arg1: memref<3x256x512xf32, #tpu.memory_space<vmem>>, %arg2: memref<3x256x512xf32, #tpu.memory_space<vmem>>) attributes {dimension_semantics = [#tpu.dimension_semantics<arbitrary>], iteration_bounds = array<i64: 2>, scalar_prefetch = 0 : i64, scratch_operands = 0 : i64, tpu.core_type = #tpu.core_type<tc>, window_params = [{transform_indices = @transform_0, window_bounds = array<i64: 3, 256, 512>}, {transform_indices = @transform_1, window_bounds = array<i64: 3, 256, 512>}]} {
    %iota3A = tpu.iota {dimensions = array<i32: 0>} : vector<256x512xi32>
    %iota3A_0 = tpu.iota {dimensions = array<i32: 1>} : vector<256x512xi32>
    %mul3A = arith.constant 256 : i32
    %mul3A_1 = arith.muli %arg0, %mul3A : i32
    %sub3A = arith.constant -79 : i32
    %sub3A_2 = arith.subi %mul3A_1, %sub3A : i32
    %add3A = vector.broadcast %sub3A_2 : i32 to vector<256x512xi32>
    %add3A_3 = arith.addi %iota3A, %add3A : vector<256x512xi32>
    %convert_element_type3A = arith.sitofp %add3A_3 : vector<256x512xi32> to vector<256x512xf32>
    %convert_element_type3A_4 = arith.sitofp %iota3A_0 : vector<256x512xi32> to vector<256x512xf32>
    %sub3A_5 = arith.constant 4.510000e+02 : f32
    %sub3A_6 = vector.broadcast %sub3A_5 : f32 to vector<256x512xf32>
    %sub3A_7 = arith.subf %convert_element_type3A_4, %sub3A_6 : vector<256x512xf32>
    %mul3A_8 = arith.constant 6.580000e+02 : f32
    %mul3A_9 = vector.broadcast %mul3A_8 : f32 to vector<256x512xf32>
    %mul3A_10 = arith.mulf %mul3A_9, %sub3A_7 : vector<256x512xf32>
    %mul3A_11 = arith.constant -3.020000e+02 : f32
    %mul3A_12 = vector.broadcast %mul3A_11 : f32 to vector<256x512xf32>
    %mul3A_13 = arith.mulf %mul3A_12, %convert_element_type3A : vector<256x512xf32>
    %sub3A_14 = arith.subf %mul3A_10, %mul3A_13 : vector<256x512xf32>
    %abs3A = math.absf %sub3A_14 : vector<256x512xf32>
    %div3A = arith.constant 723.994445 : f32
    %div3A_15 = vector.broadcast %div3A : f32 to vector<256x512xf32>
    %div3A_16 = arith.divf %abs3A, %div3A_15 : vector<256x512xf32>
    %mul3A_17 = arith.constant -3.020000e+02 : f32
    %mul3A_18 = vector.broadcast %mul3A_17 : f32 to vector<256x512xf32>
    %mul3A_19 = arith.mulf %sub3A_7, %mul3A_18 : vector<256x512xf32>
    %mul3A_20 = arith.constant 6.580000e+02 : f32
    %mul3A_21 = vector.broadcast %mul3A_20 : f32 to vector<256x512xf32>
    %mul3A_22 = arith.mulf %convert_element_type3A, %mul3A_21 : vector<256x512xf32>
    %add3A_23 = arith.addf %mul3A_19, %mul3A_22 : vector<256x512xf32>
    %mul3A_24 = arith.constant 723.994445 : f32
    %mul3A_25 = arith.constant 723.994445 : f32
    %mul3A_26 = arith.mulf %mul3A_24, %mul3A_25 : f32
    %div3A_27 = vector.broadcast %mul3A_26 : f32 to vector<256x512xf32>
    %div3A_28 = arith.divf %add3A_23, %div3A_27 : vector<256x512xf32>
    %le3A = arith.constant 1.250000e+01 : f32
    %le3A_29 = vector.broadcast %le3A : f32 to vector<256x512xf32>
    %le3A_30 = arith.cmpf ole, %div3A_16, %le3A_29 : vector<256x512xf32>
    %ge3A = arith.constant 0.000000e+00 : f32
    %ge3A_31 = vector.broadcast %ge3A : f32 to vector<256x512xf32>
    %ge3A_32 = arith.cmpf oge, %div3A_28, %ge3A_31 : vector<256x512xf32>
    %and3A = arith.andi %le3A_30, %ge3A_32 : vector<256x512xi1>
    %le3A_33 = arith.constant 1.000000e+00 : f32
    %le3A_34 = vector.broadcast %le3A_33 : f32 to vector<256x512xf32>
    %le3A_35 = arith.cmpf ole, %div3A_28, %le3A_34 : vector<256x512xf32>
    %and3A_36 = arith.andi %and3A, %le3A_35 : vector<256x512xi1>
    %get3A = arith.constant 0 : index
    %get3A_37 = arith.constant 0 : index
    %get3A_38 = arith.constant 0 : index
    %get3A_39 = vector.load %arg1[%get3A, %get3A_37, %get3A_38] : memref<3x256x512xf32, #tpu.memory_space<vmem>>, vector<1x256x512xf32>
    %get3A_40 = vector.shape_cast %get3A_39 : vector<1x256x512xf32> to vector<256x512xf32>
    %jit3A = arith.constant 7.400000e-02 : f32
    %broadcast_in_dim3A = vector.broadcast %jit3A : f32 to vector<256x512xf32>
    %select_n3A = arith.select %and3A_36, %broadcast_in_dim3A, %get3A_40 : vector<256x512xi1>, vector<256x512xf32>
    %swap3A = arith.constant 0 : index
    %swap3A_41 = arith.constant 0 : index
    %swap3A_42 = arith.constant 0 : index
    %swap3A_43 = vector.load %arg2[%swap3A, %swap3A_41, %swap3A_42] : memref<3x256x512xf32, #tpu.memory_space<vmem>>, vector<1x256x512xf32>
    %swap3A_44 = vector.shape_cast %swap3A_43 : vector<1x256x512xf32> to vector<256x512xf32>
    %swap3A_45 = vector.shape_cast %select_n3A : vector<256x512xf32> to vector<1x256x512xf32>
    tpu.vector_store %arg2[%swap3A, %swap3A_41, %swap3A_42], %swap3A_45 {strides = array<i32>} : memref<3x256x512xf32, #tpu.memory_space<vmem>>, vector<1x256x512xf32>,
    %get3A_46 = arith.constant 1 : index
    %get3A_47 = arith.constant 0 : index
    %get3A_48 = arith.constant 0 : index
    %get3A_49 = vector.load %arg1[%get3A_46, %get3A_47, %get3A_48] : memref<3x256x512xf32, #tpu.memory_space<vmem>>, vector<1x256x512xf32>
    %get3A_50 = vector.shape_cast %get3A_49 : vector<1x256x512xf32> to vector<256x512xf32>
    %jit3A_51 = arith.constant 2.400000e-02 : f32
    %broadcast_in_dim3A_52 = vector.broadcast %jit3A_51 : f32 to vector<256x512xf32>
    %select_n3A_53 = arith.select %and3A_36, %broadcast_in_dim3A_52, %get3A_50 : vector<256x512xi1>, vector<256x512xf32>
    %swap3A_54 = arith.constant 1 : index
    %swap3A_55 = arith.constant 0 : index
    %swap3A_56 = arith.constant 0 : index
    %swap3A_57 = vector.load %arg2[%swap3A_54, %swap3A_55, %swap3A_56] : memref<3x256x512xf32, #tpu.memory_space<vmem>>, vector<1x256x512xf32>
    %swap3A_58 = vector.shape_cast %swap3A_57 : vector<1x256x512xf32> to vector<256x512xf32>
    %swap3A_59 = vector.shape_cast %select_n3A_53 : vector<256x512xf32> to vector<1x256x512xf32>
    tpu.vector_store %arg2[%swap3A_54, %swap3A_55, %swap3A_56], %swap3A_59 {strides = array<i32>} : memref<3x256x512xf32, #tpu.memory_space<vmem>>, vector<1x256x512xf32>,
    %get3A_60 = arith.constant 2 : index
    %get3A_61 = arith.constant 0 : index
    %get3A_62 = arith.constant 0 : index
    %get3A_63 = vector.load %arg1[%get3A_60, %get3A_61, %get3A_62] : memref<3x256x512xf32, #tpu.memory_space<vmem>>, vector<1x256x512xf32>
    %get3A_64 = vector.shape_cast %get3A_63 : vector<1x256x512xf32> to vector<256x512xf32>
    %jit3A_65 = arith.constant 1.760000e-01 : f32
    %broadcast_in_dim3A_66 = vector.broadcast %jit3A_65 : f32 to vector<256x512xf32>
    %select_n3A_67 = arith.select %and3A_36, %broadcast_in_dim3A_66, %get3A_64 : vector<256x512xi1>, vector<256x512xf32>
    %swap3A_68 = arith.constant 2 : index
    %swap3A_69 = arith.constant 0 : index
    %swap3A_70 = arith.constant 0 : index
    %swap3A_71 = vector.load %arg2[%swap3A_68, %swap3A_69, %swap3A_70] : memref<3x256x512xf32, #tpu.memory_space<vmem>>, vector<1x256x512xf32>
    %swap3A_72 = vector.shape_cast %swap3A_71 : vector<1x256x512xf32> to vector<256x512xf32>
    %swap3A_73 = vector.shape_cast %select_n3A_67 : vector<256x512xf32> to vector<1x256x512xf32>
    tpu.vector_store %arg2[%swap3A_68, %swap3A_69, %swap3A_70], %swap3A_73 {strides = array<i32>} : memref<3x256x512xf32, #tpu.memory_space<vmem>>, vector<1x256x512xf32>,
    return
  }
  func.func @transform_0(%arg0: i32) -> (i32, i32, i32) {
    %c0_i32 = arith.constant 0 : i32
    %c0_i32_0 = arith.constant 0 : i32
    %c0_i32_1 = arith.constant 0 : i32
    return %c0_i32, %arg0, %c0_i32_0 : i32, i32, i32
  }
  func.func @transform_1(%arg0: i32) -> (i32, i32, i32) {
    %c0_i32 = arith.constant 0 : i32
    %c0_i32_0 = arith.constant 0 : i32
    %c0_i32_1 = arith.constant 0 : i32
    return %c0_i32, %arg0, %c0_i32_0 : i32, i32, i32
  }
}

</mosaic_0001>

<sc_bundles>
// kernel: kernel.4.cloned.1.call-start
scs
__scs_entry_jumppad:
0x0: {  	(pc) =	sbr.rel $0x88, $3  }
0x1: {  	(tag) =	ssettag $0x0;
	lr =	simm.s32 $0x1  }
0x2: {  	[smem:$0x3F9F] =	sst lr;
	_ =	strace $0xD0000000  }
0x3: {  	_ = 	snop  }
0x4: {  	_ = 	snop  }
0x5: {  	_ = 	snop  }
0x6: {  	_ = 	snop  }
0x7: {  	_ = 	snop  }
__scs_overlays_trampoline_lowered:
0x8: {  	[smem:$0x3FAE] =	sst s0  }
0x9: {  	[smem:$0x3FAF] =	sst s1  }
0xa: {  	[smem:$0x3FB0] =	sst s2  }
0xb: {  	[smem:$0x3FB1] =	sst s3  }
0xc: {  	[smem:$0x3FB2] =	sst s4  }
0xd: {  	[smem:$0x3FB3] =	sst s5  }
0xe: {  	[smem:$0x3FB4] =	sst s6  }
0xf: {  	[smem:$0x3FB5] =	sst s7  }
0x10: {  	[smem:$0x3FB6] =	sst s8  }
0x11: {  	[smem:$0x3FB7] =	sst s9;
	s0 =	simm.s32 @!p0 $0x0  }
0x12: {  	s1 =	sld [smem:$0x3F9D];
	s0 =	simm.s32 @p0 $0x1  }
0x13: {  	[smem:$0x3FB8] =	sst s0;
	s0 =	simm.s32 @!p1 $0x0  }
0x14: {  	s2 =	sld [smem:$0x3F9C];
	s0 =	simm.s32 @p1 $0x1  }
0x15: {  	[smem:$0x3FB9] =	sst s0;
	s0 =	simm.s32 @!p2 $0x0  }
0x16: {  	s3 =	sld [smem:$0x3FDB];
	s0 =	simm.s32 @p2 $0x1  }
0x17: {  	s4 =	simm.s32 $0x1BF5;
	[smem:$0x3FBB] =	sst s0  }
0x18: {  	s0 =	sld [smem:$0x3F9E];
	_ =	swait.ge [sflag:s4], $0x0  }
0x19: {  	s7 =	sld [smem:$0x3F9F]  }
0x1a: {  	s8 =	sadd.s32 $0xFFFFE003, lr  }
0x1b: {  	s9 =	sadd.s32 $0xFFFFFEF7, lr;
	s5 =	simm.s32 $0xFFFFFFFF;
	p2 =	slt.u32 s8, $0xFFFFF086  }
0x1c: {  	p1 =	slt.u32 s9, $0xF7A;
	s5 =	simm.s32 @!p2 $0x0  }
0x1d: {  	s5 =	simm.s32 @p1 $0x1;
	p0 =	seq.s32 s7, s2  }
0x1e: {  	s7 =	smul.u32 @!p0 $0xF7A, s2;
	p2 =	seq.s32 @!p0 s5, $0x0  }
0x1f: {  	s9 =	smul.u32 $0xF7A, s1;
	s8 =	simm.s32 @!p0 $0x1BF5;
	p2 =	por !p2, p0  }
0x20: {  	[sflag:s8] =	ssyncset.s32 @!p0 $0xFFFFF086;
	s6 =	sadd.s32 @!p0 s3, s7;
	s7 =	simm.s32 @!p0 $0x108  }
0x21: {  	s3 =	sadd.s32 s3, s9;
	s6 =	sadd.s32 @!p0 $0x88, s6;
	s7 =	simm.s32 @p2 $0x1082  }
0x22: {  	[simem:s7], [sflag:s8] =	dma.local @!p0 [hbm:s6], $0xF7A  }
0x23: {  	s9 =	sor.u32 $0xD0000000, s2;
	s6 =	simm.s32 $0x108;
	_ =	swait.ge @!p0 [sflag:s8], $0x0  }
0x24: {  	s3 =	sadd.s32 $0x88, s3;
	s6 =	simm.s32 @!p1 $0x1082;
	[sflag:s4] =	ssyncset.s32 $0xFFFFF086  }
0x25: {  	[simem:s6], [sflag:s4] =	dma.local [hbm:s3], $0xF7A  }
0x26: {  	[smem:$0x3F9F] =	sst s1;
	(tag) =	ssettag s2;
	_ =	strace s9  }
0x27: {  	s1 =	sld [smem:$0x3FAF]  }
0x28: {  	s2 =	sld [smem:$0x3FB0]  }
0x29: {  	s4 =	sld [smem:$0x3FB2]  }
0x2a: {  	p0 =	seq.s32 s5, $0x0;
	s5 =	sld [smem:$0x3FB3]  }
0x2b: {  	s6 =	sld [smem:$0x3FB4]  }
0x2c: {  	s7 =	sld [smem:$0x3FB5]  }
0x2d: {  	s3 =	simm.s32 $0x108;
	s8 =	sld [smem:$0x3FB6]  }
0x2e: {  	s3 =	simm.s32 @!p0 $0x1082;
	s9 =	sld [smem:$0x3FB7]  }
0x2f: {  	lr =	sadd.s32 s0, s3;
	s0 =	sld [smem:$0x3FAE]  }
0x30: {  	s3 =	sld [smem:$0x3FB1]  }
0x31: {  	[smem:$0x3FBA] =	sst s10  }
0x32: {  	s10 =	sld [smem:$0x3FB8];
	_ =	sdelay $0x3  }
0x33: {  	p0 =	seq.s32 s10, $0x1;
	s10 =	sld [smem:$0x3FBA];
	_ =	sdelay $0x3  }
0x34: {  	[smem:$0x3FBA] =	sst s10  }
0x35: {  	s10 =	sld [smem:$0x3FB9];
	_ =	sdelay $0x3  }
0x36: {  	p1 =	seq.s32 s10, $0x1;
	s10 =	sld [smem:$0x3FBA];
	_ =	sdelay $0x3  }
0x37: {  	[smem:$0x3FBA] =	sst s10  }
0x38: {  	s10 =	sld [smem:$0x3FBB]  }
0x39: {  	_ = 	snop;
	(pc) =	sbr.ind lr, $3  }
0x3a: {  	_ = 	snop  }
0x3b: {  	_ = 	snop  }
0x3c: {  	p2 =	seq.s32 s10, $0x1;
	s10 =	sld [smem:$0x3FBA]  }
0x3d: {  	_ =	shalt  }
0x3e: {  	_ =	shalt  }
0x3f: {  	_ =	shalt  }
0x40: {  	_ =	shalt  }
0x41: {  	_ =	shalt  }
0x42: {  	_ =	shalt  }
0x43: {  	_ =	shalt  }
0x44: {  	_ =	shalt  }
0x45: {  	_ =	shalt  }
0x46: {  	_ =	shalt  }
0x47: {  	_ =	shalt  }
0x48: {  	_ =	shalt  }
0x49: {  	_ =	shalt  }
0x4a: {  	_ =	shalt  }
0x4b: {  	_ =	shalt  }
0x4c: {  	_ =	shalt  }
0x4d: {  	_ =	shalt  }
0x4e: {  	_ =	shalt  }
0x4f: {  	_ =	shalt  }
0x50: {  	_ =	shalt  }
0x51: {  	_ =	shalt  }
0x52: {  	_ =	shalt  }
0x53: {  	_ =	shalt  }
0x54: {  	_ =	shalt  }
0x55: {  	_ =	shalt  }
0x56: {  	_ =	shalt  }
0x57: {  	_ =	shalt  }
0x58: {  	_ =	shalt  }
0x59: {  	_ =	shalt  }
0x5a: {  	_ =	shalt  }
0x5b: {  	_ =	shalt  }
0x5c: {  	_ =	shalt  }
0x5d: {  	_ =	shalt  }
0x5e: {  	_ =	shalt  }
0x5f: {  	_ =	shalt  }
0x60: {  	_ =	shalt  }
0x61: {  	_ =	shalt  }
0x62: {  	_ =	shalt  }
0x63: {  	_ =	shalt  }
0x64: {  	_ =	shalt  }
0x65: {  	_ =	shalt  }
0x66: {  	_ =	shalt  }
0x67: {  	_ =	shalt  }
0x68: {  	_ =	shalt  }
0x69: {  	_ =	shalt  }
0x6a: {  	_ =	shalt  }
0x6b: {  	_ =	shalt  }
0x6c: {  	_ =	shalt  }
0x6d: {  	_ =	shalt  }
0x6e: {  	_ =	shalt  }
0x6f: {  	_ =	shalt  }
0x70: {  	_ =	shalt  }
0x71: {  	_ =	shalt  }
0x72: {  	_ =	shalt  }
0x73: {  	_ =	shalt  }
0x74: {  	_ =	shalt  }
0x75: {  	_ =	shalt  }
0x76: {  	_ =	shalt  }
0x77: {  	_ =	shalt  }
0x78: {  	_ =	shalt  }
0x79: {  	_ =	shalt  }
0x7a: {  	_ =	shalt  }
0x7b: {  	_ =	shalt  }
0x7c: {  	_ =	shalt  }
0x7d: {  	_ =	shalt  }
0x7e: {  	_ =	shalt  }
0x7f: {  	_ =	shalt  }
0x80: {  	_ =	shalt  }
0x81: {  	_ =	shalt  }
0x82: {  	_ =	shalt  }
0x83: {  	_ =	shalt  }
0x84: {  	_ =	shalt  }
0x85: {  	_ =	shalt  }
0x86: {  	_ =	shalt  }
0x87: {  	_ =	shalt  }
.Lfunc_end0:
.L_simem_size_0:
called_computation_lowered:
.L_overlay_start_0:
0x88: {  	s2 =	sld [smem:$0x3FD9]  }
0x89: {  	s3 =	sld [smem:$0x3FFE];
	_ =	sdelay $0x1  }
0x8a: {  	s1 =	srdreg.scid  }
0x8b: {  	s0 =	sand.u32 $0x1, s1  }
0x8c: {  	s15 =	sshll.u32 s0, $0xA;
	s2 =	sadd.s32 s3, s2  }
0x8d: {  	s2 =	sadd.s32 s2, s15  }
0x8e: {  	[smem:$0x3FC6] =	sst s2  }
0x8f: {  	_ = 	snop  }
0x90: {  	s2 =	sld [smem:$0x3FD0];
	_ =	sdelay $0x2  }
0x91: {  	s4 =	simm.s32 $0xA;
	s5 =	simm.s32 $0x10;
	s16 =	sld [smem:$0x3FC8]  }
0x92: {  	[smem:s5], [sflag:s4] =	dma.local [hbm:s2], $0x1  }
0x93: {  	_ =	swait.eq [sflag:s4], $0x1  }
0x94: {  	[sflag:s4] =	ssyncset.done $0x0  }
0x95: {  	[sflag:s4] =	ssyncadd.s32 $0xFFFFFFFF  }
0x96: {  	s17 =	sld [smem:$0x11];
	(tm) =	ssettm $0x1  }
0x97: {  	s18 =	sld [smem:$0x3FFB];
	_ =	sdelay $0x3  }
0x98: {  	_ =	strace s18  }
0x99: {  	s4 =	sld [smem:$0x3FFC];
	_ =	sdelay $0x3  }
0x9a: {  	_ =	strace s4  }
0x9b: {  	s4 =	sld [smem:$0x3FFD];
	_ =	sdelay $0x3  }
0x9c: {  	_ =	strace s4  }
0x9d: {  	_ =	strace $0x8FFFFFFF  }
0x9e: {  	s19 =	sld [smem:$0x3FDB];
	_ =	sdelay $0x1  }
0x9f: {  	s20 =	simm.s32 $_scs_section_size  }
0xa0: {  	s6 =	simm.s32 $_size__tile_overlayer_lowered;
	s7 =	simm.s32 $_tile_overlayer_lowered  }
0xa1: {  	s23 =	simm.s32 $0x1BFF;
	s22 =	sshll.u32 s7, $0x1;
	s4 =	sadd.s32 s20, s19  }
0xa2: {  	s8 =	simm.s32 $0x0;
	s21 =	sshll.u32 s6, $0x1;
	s6 =	sadd.s32 s22, s4  }
0xa3: {  	[timem:s8], [sflag:s23] =	dma.local [hbm:s6], s21  }
0xa4: {  	_ =	swait.ge [sflag:s23], s21  }
0xa5: {  	s5 =	ssub.s32 $0x0, s21;
	[sflag:s23] =	ssyncset.done $0x0  }
0xa6: {  	[sflag:s23] =	ssyncadd.s32 s5;
	_ =	sdelay $0x1  }
0xa7: {  	s24 =	simm.s32 $0x1B8B  }
0xa8: {  	_ =	swait.ge [sflag:s24], $0x1  }
0xa9: {  	[sflag:s24] =	ssyncset.done $0x0  }
0xaa: {  	s25 =	simm.s32 $0x1B8E;
	[sflag:s24] =	ssyncadd.s32 $0xFFFFFFFF  }
0xab: {  	s26 =	simm.s32 $execute0_lowered;
	[smem:$0x3FD2] =	sst s25  }
0xac: {  	s5 =	sshll.u32 s26, $0x1;
	_ =	strace $0x80000046;
	[dreg:$0x1] =	wrdreg $0xFFFFFFFF  }
0xad: {  	s28 =	simm.s32 $_size_execute0_lowered;
	s4 =	sadd.s32 s4, s5;
	[dreg:$0x0] =	wrdreg $0x0  }
0xae: {  	s5 =	sshll.u32 s28, $0x1;
	[dreg:$0x2] =	wrdreg s4  }
0xaf: {  	[dreg:$0x3] =	wrdreg s5  }
0xb0: {  	[dreg:$0x4] =	wrdreg $0xC0  }
0xb1: {  	_ =	task [dreg:s8], $0x5FFFF  }
0xb2: {  	[dreg:$0x1] =	wrdreg $0xFFFFFFFF  }
0xb3: {  	[dreg:$0x0] =	wrdreg $0x60  }
0xb4: {  	[dreg:$0x2] =	wrdreg s16  }
0xb5: {  	[dreg:$0x3] =	wrdreg s17  }
0xb6: {  	[dreg:$0x4] =	wrdreg $0x9  }
0xb7: {  	_ =	task.clear_ibuf [dreg:s8], $0x5FFFF;
	_ =	strace $0x90000046  }
0xb8: {  	s29 =	simm.s32 $0x9;
	_ =	strace $0x80000048  }
0xb9: {  	_ =	swait.ge [sflag:s29], $0x1  }
0xba: {  	[sflag:s29] =	ssyncadd.s32 $0xFFFFFFFF  }
0xbb: {  	_ =	strace $0x90000048  }
0xbc: {  	_ =	sfence  }
0xbd: {  	s30 =	sld [smem:$0x0];
	_ =	sdelay $0x2  }
0xbe: {  	s31 =	sshll.u32 s1, $0xD;
	s1 =	sshrl.u32 s1, $0x2  }
0xbf: {  	s3 =	sand.u32 $0x4000, s31;
	s1 =	sadd.s32 s1, s30  }
0xc0: {  	s0 =	sor.u32 s3, s0;
	s1 =	sshll.u32 s1, $0x11  }
0xc1: {  	s0 =	sor.u32 s1, s0  }
0xc2: {  	s0 =	sadd.s32 $0x8F2B, s0  }
0xc3: {  	[sflag:s0] =	ssyncadd.remote.s32 $0x1  }
0xc4: {  	_ =	sfence.sel $0xFFFF  }
0xc5: {  	[dreg:$0x0] =	wrdreg $0xFFFFFFFF;
	(pc) =	sbr.abs _section_cstart, $3  }
0xc6: {  	[dreg:$0x1] =	wrdreg $0xFFFFFFFF  }
0xc7: {  	_ =	task.clear_ibuf [dreg:s8], $0x2FFFF;
	_ =	strace $0x9FFFFFFF  }
0xc8: {  	(tm) =	ssettm $0x7FFFFFFF  }
0xc9: {  	_ =	shalt  }
tec
execute0_lowered:
.L_overlay_start_1:
0x0: {  	(tag) =	ssettag $0x1  }
0x1: {  	s3 =	rddreg [dreg:$0x0]  }
0x2: {  	s4 =	rddreg [dreg:$0x1];
	s1 =	simm.s32 $0x0  }
0x3: {  	[smem:$0x7FF] =	sst s1  }
0x4: {  	s0 =	rddreg [dreg:$0x2];
	v0 =	vimm.f32 $7.239944450e+02;
	_ =	strace $0x80000047  }
0x5: {  	(erf) = vrcp.f32 v0;
	v0 =	vimm.f32 $5.241679690e+05  }
0x6: {  	(erf) = vrcp.f32 v0;
	_ =	sdelay $0x2  }
0x7: {  	s5 =	srdreg.scid;
	s2 =	stileid.u32  }
0x8: {  	s5 =	sand.u32 $0x1, s5;
	s6 =	sshll.u32 s2, $0x1  }
0x9: {  	s8 =	smul.u32 $0x60, s2;
	s6 =	sor.u32 s5, s6;
	s7 =	ssub.s32 $0x2, s5  }
0xa: {  	s31 =	simm.f32 $0.0e+00;
	s6 =	smul.u32 $0xC00, s6;
	s9 =	sshrl.u32 s7, $0x1  }
0xb: {  	s10 =	smul.u32 $0x30, s5;
	[dreg:$0x3] =	wrdreg s31;
	s30 =	ssub.s32 s7, s9  }
0xc: {  	s7 =	simm.s32 $0x1;
	s3 =	sadd.s32 s3, s6;
	s4 =	sadd.s32 s4, s6;
	v0 =	vpop (erf)  }
0xd: {  	v2 =	vlaneseq.u32;
	s5 =	smax.u32 s30, $0x1;
	s6 =	sadd.s32 s10, s8;
	s8 =	simm.s32 $0x0;
	v1 =	vpop (erf)  }
.LBB2_1:
0xe: {  	s9 =	sand.u32 $0x1FF, s6  }
0xf: {  	s9 =	sadd.s32 $0x4F, s9  }
0x10: {  	s10 =	scvt.s32.f32 s9;
	_ =	sdelay $0x1  }
0x11: {  	s10 =	smul.f32 $-4.589665530e-01, s10;
	_ =	sdelay $0x1  }
0x12: {  	s10 =	sadd.f32 $4.510000000e+02, s10;
	_ =	sdelay $0x1  }
0x13: {  	s10 =	scvt.f32.s32 s10  }
0x14: {  	[tilespmem:s1], [sflag:$0x1] =	stream.linear.gather [hbm4b:s3+s1], $0x6000, $0x38;
	[tilespmem:$0x6000] =	vst v63  }
0x15: {  	s10 =	sadd.s32 $0xFFFFFFF2, s10  }
0x16: {  	s10 =	sand.u32 $0xFFFFFFF0, s10  }
0x17: {  	p0 =	sgt.s32 s10, $0x0  }
0x18: {  	s10 =	simm.s32 @!p0 $0x0  }
0x19: {  	s10 =	smin.u32 s10, $0x1D0  }
0x1a: {  	s15 =	simm.s32 $0x200;
	v3 =	vor.u32 s10, v2  }
0x1b: {  	s13 =	sadd.s32 $0x1, s6;
	p6 =	sgt.u32 s6, $0x3FF;
	s12 =	sadd.s32 $0x10, s10;
	v3 =	vcvt.s32.f32 v3  }
0x1c: {  	s20 =	sand.u32 $0x7000, s1;
	_ =	swait.ge [sflag:s7], $0x6000;
	s11 =	smul.u32 $0xFFFFFED2, s9;
	v4 =	vor.u32 s12, v2  }
0x1d: {  	s14 =	sand.u32 $0x1FF, s13;
	p1 =	sgt.u32 s13, $0x3FF;
	s13 =	sadd.s32 $0x1, s13;
	v4 =	vcvt.s32.f32 v4;
	v3 =	vadd.f32 $-4.510000000e+02, v3  }
0x1e: {  	s16 =	smul.u32 $0x292, s9;
	s14 =	sadd.s32 $0x4F, s14;
	s11 =	scvt.s32.f32 s11  }
0x1f: {  	[sflag:s7] =	ssyncset.done $0x0;
	s18 =	scvt.s32.f32 s14;
	s22 =	sshll.u32 s10, $0x3;
	v4 =	vadd.f32 $-4.510000000e+02, v4;
	v5 =	vmul.f32 $6.580000000e+02, v3  }
0x20: {  	s19 =	scvt.s32.f32 s16;
	v6 =	vmov s11;
	s17 =	sadd.s32 $0x20, s10;
	s10 =	sor.u32 s10, s22;
	v3 =	vmul.f32 $3.020000000e+02, v3  }
0x21: {  	s9 =	simm.s32 $0x400;
	s23 =	smul.f32 $-4.589665530e-01, s18;
	v7 =	vor.u32 s17, v2;
	s10 =	sand.u32 $0xC70, s10;
	v8 =	vmul.f32 $6.580000000e+02, v4;
	v5 =	vsub.f32 v5, v6  }
0x22: {  	[sflag:s7] =	ssyncadd.s32 $0xFFFFA000;
	s16 =	sand.u32 $0x380, s1;
	v7 =	vcvt.s32.f32 v7;
	s10 =	sor.u32 s20, s10;
	v3 =	vsub.f32 s19, v3  }
0x23: {  	s28 =	smul.u32 $0xFFFFFED2, s14;
	s11 =	sadd.f32 $4.510000000e+02, s23;
	s10 =	sor.u32 s16, s10;
	v4 =	vmul.f32 $3.020000000e+02, v4;
	v8 =	vsub.f32 v8, v6;
	v5 =	vand.u32 $0x7FFFFFFF, v5  }
0x24: {  	s23 =	sand.u32 $0x7000, s15;
	p0 =	por p6, p6;
	s24 =	sshll.u32 s12, $0x3;
	v7 =	vadd.f32 $-4.510000000e+02, v7;
	v9 =	vld [tilespmem:s10+$0x0];
	v3 =	vmul.f32 v3, v1;
	v5 =	vmul.f32 v5, v0  }
0x25: {  	s21 =	sshll.u32 s17, $0x3;
	s12 =	sand.u32 $0x70, s12;
	s22 =	scvt.f32.s32 s11;
	v4 =	vsub.f32 s19, v4;
	v8 =	vand.u32 $0x7FFFFFFF, v8  }
0x26: {  	s11 =	rddreg [dreg:$0x3];
	s25 =	sand.u32 $0x70, s17;
	s18 =	sand.u32 $0x1C00, s24;
	vm1 =	vle.f32 v3, $1.000000000e+00;
	vm0 =	vle.f32 v5, $1.250000000e+01;
	v5 =	vmul.f32 $3.020000000e+02, v7  }
0x27: {  	s21 =	sand.u32 $0x1C00, s21;
	s11 =	simm.s32 @!p0 $0x3F000000;
	s29 =	sadd.s32 $0xFFFFFFF2, s22;
	v8 =	vmul.f32 v8, v0;
	vm2 =	vge.f32 v3, $0.0e+00;
	vm0 =	vmand vm0, vm1  }
0x28: {  	s18 =	sadd.s32 s18, s20;
	s26 =	sadd.s32 s21, s20;
	v4 =	vmul.f32 v4, v1;
	v3 =	vsub.f32 s19, v5;
	vm0 =	vmand vm0, vm2;
	s19 =	sand.u32 $0xFFFFFFF0, s29  }
0x29: {  	s20 =	scvt.s32.f32 s28;
	s18 =	sor.u32 s12, s18;
	vm1 =	vle.f32 v8, $1.250000000e+01;
	p0 =	sgt.s32 s19, $0x0;
	v5 =	vsel vm0, s11, v9  }
0x2a: {  	s21 =	smul.u32 $0x292, s14;
	s22 =	sor.u32 s16, s18;
	vm0 =	vle.f32 v4, $1.000000000e+00;
	v8 =	vmul.f32 v3, v1;
	s19 =	simm.s32 @!p0 $0x0;
	[tilespmem:s10+$0x0] =	vst v5;
	v5 =	vmul.f32 $6.580000000e+02, v7  }
0x2b: {  	s17 =	sor.u32 s25, s26;
	s12 =	simm.s32 $0x600;
	vm0 =	vmand vm1, vm0;
	v3 =	vmov s20;
	vm1 =	vge.f32 v4, $0.0e+00;
	s30 =	smin.u32 s19, $0x1D0;
	v4 =	vld [tilespmem:s22+$0x0]  }
0x2c: {  	s15 =	sor.u32 s16, s17;
	p0 =	por p1, p1;
	vm1 =	vmand vm0, vm1;
	v7 =	vor.u32 s30, v2;
	s19 =	sadd.s32 $0x10, s30;
	v5 =	vsub.f32 v5, v6  }
0x2d: {  	s10 =	simm.s32 $0x80;
	s20 =	scvt.s32.f32 s21;
	s24 =	sadd.s32 $0x20, s30;
	vm0 =	vge.f32 v8, $0.0e+00;
	v6 =	vcvt.s32.f32 v7;
	v7 =	vor.u32 s19, v2  }
0x2e: {  	p1 =	sgt.u32 s13, $0x3FF;
	s14 =	sand.u32 $0x380, s10;
	s31 =	sshll.u32 s30, $0x3;
	vm2 =	vle.f32 v8, $1.000000000e+00;
	v9 =	vor.u32 s24, v2;
	v7 =	vcvt.s32.f32 v7  }
0x2f: {  	s25 =	sor.u32 s30, s31;
	s26 =	sshll.u32 s19, $0x3;
	s28 =	sshll.u32 s24, $0x3;
	v5 =	vand.u32 $0x7FFFFFFF, v5;
	v9 =	vcvt.s32.f32 v9;
	v6 =	vadd.f32 $-4.510000000e+02, v6  }
0x30: {  	s29 =	sand.u32 $0x70, s19;
	s30 =	sand.u32 $0x70, s24;
	s31 =	sand.u32 $0x1FF, s13;
	v5 =	vmul.f32 v5, v0;
	v7 =	vadd.f32 $-4.510000000e+02, v7;
	v8 =	vsel vm1, s11, v4  }
0x31: {  	s16 =	sand.u32 $0xC70, s25;
	s17 =	sand.u32 $0x1C00, s26;
	s25 =	sand.u32 $0x1C00, s28;
	v4 =	vadd.f32 $-4.510000000e+02, v9;
	v10 =	vmul.f32 $6.580000000e+02, v6;
	v6 =	vmul.f32 $3.020000000e+02, v6  }
0x32: {  	s21 =	sadd.s32 $0x4F, s31;
	s16 =	sor.u32 s23, s16;
	s17 =	sadd.s32 s17, s23;
	vm1 =	vle.f32 v5, $1.250000000e+01;
	v5 =	vmul.f32 $6.580000000e+02, v7;
	v11 =	vmul.f32 $3.020000000e+02, v7  }
0x33: {  	s23 =	sadd.s32 s25, s23;
	s16 =	sor.u32 s14, s16;
	s18 =	sor.u32 s29, s17;
	[tilespmem:s22+$0x0] =	vst v8;
	vm1 =	vmand vm1, vm2;
	v9 =	vsub.f32 v10, v3;
	v7 =	vsub.f32 s20, v6  }
0x34: {  	s17 =	sor.u32 s30, s23;
	s23 =	scvt.s32.f32 s21;
	s22 =	smul.u32 $0xFFFFFED2, s21;
	v6 =	vld [tilespmem:s15+$0x0];
	vm0 =	vmand vm1, vm0;
	v8 =	vsub.f32 v5, v3;
	v5 =	vsub.f32 s20, v11  }
.LBB2_2:
0x35: {  	_ =	sdelay $0x1  }
0x36: {  	s23 =	smul.f32 $-4.589665530e-01, s23;
	_ =	sdelay $0x1  }
0x37: {  	s25 =	sadd.f32 $4.510000000e+02, s23;
	v6 =	vsel vm0, s11, v6  }
0x38: {  	v9 =	vand.u32 $0x7FFFFFFF, v9;
	[tilespmem:s15+$0x0] =	vst v6  }
0x39: {  	v7 =	vmul.f32 v7, v1;
	v9 =	vmul.f32 v9, v0;
	s26 =	scvt.f32.s32 s25;
	v6 =	vld [tilespmem:s16+$0x0]  }
0x3a: {  	p2 =	sne.s32 s12, $0x5E00;
	s21 =	smul.u32 $0x292, s21;
	s19 =	smov.u32 s12;
	v10 =	vmul.f32 $3.020000000e+02, v4;
	v8 =	vand.u32 $0x7FFFFFFF, v8;
	v5 =	vmul.f32 v5, v1  }
0x3b: {  	s12 =	sadd.s32 $0x200, s12;
	s10 =	sadd.s32 $0x80, s10;
	v4 =	vmul.f32 $6.580000000e+02, v4;
	vm1 =	vle.f32 v7, $1.000000000e+00;
	vm0 =	vle.f32 v9, $1.250000000e+01;
	s15 =	sadd.s32 $0xFFFFFFF2, s26  }
0x3c: {  	s13 =	sadd.s32 $0x1, s13;
	v8 =	vmul.f32 v8, v0;
	vm2 =	vge.f32 v7, $0.0e+00;
	s11 =	rddreg [dreg:$0x3];
	vm0 =	vmand vm0, vm1;
	s15 =	sand.u32 $0xFFFFFFF0, s15  }
0x3d: {  	v4 =	vsub.f32 v4, v3;
	v9 =	vsub.f32 s20, v10;
	s11 =	simm.s32 @!p0 $0x3F000000;
	p0 =	por p1, p1;
	vm0 =	vmand vm0, vm2;
	p1 =	sgt.s32 s15, $0x0  }
0x3e: {  	s9 =	sand.u32 $0x7000, s9;
	s24 =	scvt.s32.f32 s22;
	vm1 =	vle.f32 v8, $1.250000000e+01;
	vm2 =	vle.f32 v5, $1.000000000e+00;
	s15 =	simm.s32 @!p1 $0x0;
	v6 =	vsel vm0, s11, v6  }
0x3f: {  	s22 =	sand.u32 $0x380, s10;
	s23 =	sor.u32 s14, s18;
	v4 =	vand.u32 $0x7FFFFFFF, v4;
	v7 =	vmul.f32 v9, v1;
	vm1 =	vmand vm1, vm2;
	s28 =	smin.u32 s15, $0x1D0;
	[tilespmem:s16+$0x0] =	vst v6  }
0x40: {  	s20 =	scvt.s32.f32 s21;
	vm0 =	vge.f32 v5, $0.0e+00;
	v6 =	vmov s24;
	v8 =	vor.u32 s28, v2;
	s30 =	sadd.s32 $0x10, s28;
	s31 =	sadd.s32 $0x20, s28;
	v5 =	vld [tilespmem:s23+$0x0]  }
0x41: {  	p1 =	sgt.u32 s13, $0x3FF;
	s15 =	sor.u32 s14, s17;
	s29 =	sshll.u32 s28, $0x3;
	v3 =	vmovc v6;
	v6 =	vcvt.s32.f32 v8;
	v8 =	vor.u32 s30, v2;
	v9 =	vor.u32 s31, v2  }
0x42: {  	vm2 =	vle.f32 v7, $1.000000000e+00;
	s14 =	sor.u32 s28, s29;
	s26 =	sshll.u32 s30, $0x3;
	s28 =	sshll.u32 s31, $0x3;
	v8 =	vcvt.s32.f32 v8;
	v9 =	vcvt.s32.f32 v9  }
0x43: {  	vm1 =	vmand vm1, vm0;
	vm0 =	vge.f32 v7, $0.0e+00;
	s17 =	sand.u32 $0x70, s30;
	s30 =	sand.u32 $0x70, s31;
	s31 =	sand.u32 $0x1FF, s13;
	v6 =	vadd.f32 $-4.510000000e+02, v6  }
.Ltmp0:
0x44: {  	s14 =	sand.u32 $0xC70, s14;
	s16 =	sand.u32 $0x1C00, s26;
	v7 =	vadd.f32 $-4.510000000e+02, v8;
	v8 =	vmul.f32 v4, v0;
	v4 =	vadd.f32 $-4.510000000e+02, v9;
	(pc) =	sbr.rel @p2 .LBB2_2-.Ltmp0, $4  }
0x45: {  	s25 =	sand.u32 $0x1C00, s28;
	s21 =	sadd.s32 $0x4F, s31;
	s14 =	sor.u32 s9, s14;
	v10 =	vmul.f32 $6.580000000e+02, v6;
	v11 =	vmul.f32 $3.020000000e+02, v6;
	v5 =	vsel vm1, s11, v5  }
0x46: {  	s29 =	sadd.s32 s16, s9;
	s9 =	sadd.s32 s25, s9;
	s16 =	sor.u32 s22, s14;
	v12 =	vmul.f32 $3.020000000e+02, v7;
	vm1 =	vle.f32 v8, $1.250000000e+01;
	[tilespmem:s23+$0x0] =	vst v5;
	v5 =	vmul.f32 $6.580000000e+02, v7  }
0x47: {  	s18 =	sor.u32 s17, s29;
	s17 =	sor.u32 s30, s9;
	s9 =	smov.u32 s19;
	v9 =	vsub.f32 v10, v3;
	v7 =	vsub.f32 s20, v11;
	vm1 =	vmand vm1, vm2  }
0x48: {  	s14 =	smov.u32 s22;
	s22 =	smul.u32 $0xFFFFFED2, s21;
	s23 =	scvt.s32.f32 s21;
	v6 =	vld [tilespmem:s15+$0x0];
	vm0 =	vmand vm1, vm0;
	v8 =	vsub.f32 v5, v3;
	v5 =	vsub.f32 s20, v12  }
0x49: {  	_ =	sdelay $0x3  }
0x4a: {  	v6 =	vsel vm0, s11, v6  }
0x4b: {  	v9 =	vand.u32 $0x7FFFFFFF, v9;
	[tilespmem:s15+$0x0] =	vst v6  }
0x4c: {  	v7 =	vmul.f32 v7, v1;
	s12 =	smul.f32 $-4.589665530e-01, s23;
	v45 =	vmul.f32 v9, v0;
	v46 =	vld [tilespmem:s16+$0x0];
	_ =	sdelay $0x1  }
0x4d: {  	vm1 =	vle.f32 v7, $1.000000000e+00;
	s12 =	sadd.f32 $4.510000000e+02, s12;
	vm12 =	vle.f32 v45, $1.250000000e+01  }
0x4e: {  	vm2 =	vge.f32 v7, $0.0e+00;
	s11 =	rddreg [dreg:$0x3];
	vm0 =	vmand vm12, vm1  }
0x4f: {  	s12 =	scvt.f32.s32 s12;
	vm0 =	vmand vm0, vm2;
	s11 =	simm.s32 @!p0 $0x3F000000  }
0x50: {  	v47 =	vsel vm0, s11, v46  }
0x51: {  	s13 =	sor.u32 s14, s18;
	v48 =	vand.u32 $0x7FFFFFFF, v8;
	s12 =	sadd.s32 $0xFFFFFFF2, s12;
	[tilespmem:s16+$0x0] =	vst v47  }
0x52: {  	v5 =	vmul.f32 v5, v1;
	v49 =	vmul.f32 v48, v0;
	s12 =	sand.u32 $0xFFFFFFF0, s12;
	v50 =	vld [tilespmem:s13+$0x0]  }
0x53: {  	p0 =	sgt.s32 s12, $0x0  }
0x54: {  	v51 =	vmul.f32 $6.580000000e+02, v4;
	vm14 =	vle.f32 v5, $1.000000000e+00;
	vm13 =	vle.f32 v49, $1.250000000e+01;
	s12 =	simm.s32 @!p0 $0x0  }
0x55: {  	v52 =	vmul.f32 $3.020000000e+02, v4;
	vm15 =	vge.f32 v5, $0.0e+00;
	vm0 =	vmand vm13, vm14;
	s12 =	smin.u32 s12, $0x1D0  }
0x56: {  	v3 =	vsub.f32 v51, v3;
	v53 =	vor.u32 s12, v2;
	vm0 =	vmand vm0, vm15  }
0x57: {  	v4 =	vsub.f32 s20, v52;
	v5 =	vcvt.s32.f32 v53;
	v54 =	vsel vm0, s11, v50  }
0x58: {  	s24 =	sor.u32 s14, s17;
	s23 =	scvt.s32.f32 s22;
	v3 =	vand.u32 $0x7FFFFFFF, v3;
	[tilespmem:s13+$0x0] =	vst v54  }
0x59: {  	v4 =	vmul.f32 v4, v1;
	v3 =	vmul.f32 v3, v0;
	v5 =	vadd.f32 $-4.510000000e+02, v5;
	v6 =	vld [tilespmem:s24+$0x0]  }
0x5a: {  	s25 =	smul.u32 $0x292, s21;
	v55 =	vmov s23  }
0x5b: {  	vm4 =	vle.f32 v4, $1.000000000e+00;
	vm5 =	vle.f32 v3, $1.250000000e+01;
	s26 =	sshll.u32 s12, $0x3;
	v56 =	vmul.f32 $6.580000000e+02, v5  }
0x5c: {  	vm6 =	vge.f32 v4, $0.0e+00;
	s28 =	sadd.s32 $0x10, s12;
	s15 =	sor.u32 s12, s26;
	v3 =	vmul.f32 $3.020000000e+02, v5;
	vm0 =	vmand vm5, vm4;
	s13 =	scvt.s32.f32 s25  }
0x5d: {  	s10 =	sadd.s32 $0x80, s10;
	s9 =	sand.u32 $0x7000, s9;
	v57 =	vor.u32 s28, v2;
	s15 =	sand.u32 $0xC70, s15;
	v58 =	vsub.f32 v56, v55;
	vm0 =	vmand vm0, vm6  }
0x5e: {  	s10 =	sand.u32 $0x380, s10;
	v4 =	vcvt.s32.f32 v57;
	s15 =	sor.u32 s9, s15;
	v3 =	vsub.f32 s13, v3;
	v6 =	vsel vm0, s11, v6  }
0x5f: {  	s29 =	sor.u32 s10, s15;
	v5 =	vand.u32 $0x7FFFFFFF, v58;
	[tilespmem:s24+$0x0] =	vst v6  }
0x60: {  	v4 =	vadd.f32 $-4.510000000e+02, v4;
	v5 =	vmul.f32 v5, v0;
	v3 =	vmul.f32 v3, v1;
	v6 =	vld [tilespmem:s29+$0x0];
	_ =	sdelay $0x1  }
0x61: {  	s14 =	rddreg [dreg:$0x3];
	s30 =	sshll.u32 s28, $0x3;
	v59 =	vmul.f32 $6.580000000e+02, v4;
	vm7 =	vle.f32 v5, $1.250000000e+01;
	vm8 =	vle.f32 v3, $1.000000000e+00  }
0x62: {  	p0 =	por p1, p1;
	s12 =	sadd.s32 $0x20, s12;
	s15 =	sand.u32 $0x1C00, s30;
	v4 =	vmul.f32 $3.020000000e+02, v4;
	vm9 =	vge.f32 v3, $0.0e+00;
	vm0 =	vmand vm7, vm8  }
0x63: {  	s14 =	simm.s32 @!p0 $0x3F000000;
	s16 =	sand.u32 $0x70, s28;
	s15 =	sadd.s32 s15, s9;
	v60 =	vsub.f32 v59, v55;
	v3 =	vor.u32 s12, v2;
	vm0 =	vmand vm0, vm9  }
0x64: {  	s15 =	sor.u32 s16, s15;
	v4 =	vsub.f32 s13, v4;
	v3 =	vcvt.s32.f32 v3;
	v6 =	vsel vm0, s14, v6  }
0x65: {  	s15 =	sor.u32 s10, s15;
	v5 =	vand.u32 $0x7FFFFFFF, v60;
	[tilespmem:s29+$0x0] =	vst v6  }
0x66: {  	v4 =	vmul.f32 v4, v1;
	v5 =	vmul.f32 v5, v0;
	v3 =	vadd.f32 $-4.510000000e+02, v3;
	v6 =	vld [tilespmem:s15+$0x0];
	_ =	sdelay $0x1  }
0x67: {  	s31 =	sshll.u32 s12, $0x3;
	vm11 =	vle.f32 v4, $1.000000000e+00;
	vm10 =	vle.f32 v5, $1.250000000e+01;
	v61 =	vmul.f32 $6.580000000e+02, v3  }
0x68: {  	s11 =	sand.u32 $0x1C00, s31;
	vm12 =	vge.f32 v4, $0.0e+00;
	v3 =	vmul.f32 $3.020000000e+02, v3;
	vm0 =	vmand vm10, vm11  }
0x69: {  	s12 =	sand.u32 $0x70, s12;
	s9 =	sadd.s32 s11, s9;
	v62 =	vsub.f32 v61, v55;
	vm0 =	vmand vm0, vm12  }
0x6a: {  	s9 =	sor.u32 s12, s9;
	v3 =	vsub.f32 s13, v3;
	v63 =	vsel vm0, s14, v6  }
0x6b: {  	s9 =	sor.u32 s10, s9;
	v4 =	vand.u32 $0x7FFFFFFF, v62;
	[tilespmem:s15+$0x0] =	vst v63  }
0x6c: {  	v3 =	vmul.f32 v3, v1;
	v4 =	vmul.f32 v4, v0;
	v5 =	vld [tilespmem:s9+$0x0];
	_ =	sdelay $0x1  }
0x6d: {  	vm13 =	vle.f32 v3, $1.000000000e+00;
	vm14 =	vle.f32 v4, $1.250000000e+01  }
0x6e: {  	vm15 =	vge.f32 v3, $0.0e+00;
	vm0 =	vmand vm14, vm13  }
0x6f: {  	s8 =	sadd.s32 $0x1, s8;
	vm0 =	vmand vm0, vm15  }
0x70: {  	p0 =	sne.s32 s8, s5;
	v3 =	vsel vm0, s14, v5  }
.Ltmp1:
0x71: {  	[tilespmem:s9+$0x0] =	vst v3;
	(pc) =	sbr.rel @p0 .LBB2_1-.Ltmp1, $4  }
0x72: {  	[hbm4b:s4+s1] =	stream.linear.scatter [tilespmem:s1], [sflag:$0x1], $0x6000, $0x38;
	[tilespmem:$0x6000] =	vst v63  }
0x73: {  	_ =	swait.ge [sflag:s7], $0x6000  }
0x74: {  	[sflag:s7] =	ssyncset.done $0x0  }
0x75: {  	[sflag:s7] =	ssyncadd.s32 $0xFFFFA000  }
0x76: {  	_ =	sfence.sel $0x180000  }
0x77: {  	[bflag:$0x0] =	sbarrier.arrive $0xFFFF  }
0x78: {  	p0 =	sne.s32 s2, $0x0;
	_ =	strace $0x90000047  }
0x79: {  	s0 =	sadd.s32 @!p0 $0x100000, s0;
	[bflag:$0x2] =	sbarrier.arrive $0xFFFF  }
0x7a: {  	[sflag:s0] =	ssyncadd.tile.s32 @!p0 $0x1;
	_ =	shalt  }
.Lfunc_end2:
_tile_overlayer_lowered:
.L_overlay_start_2:
0x7b: {  	(tag) =	ssettag $0x2  }
0x7c: {  	s0 =	rddreg [dreg:$0x0];
	s2 =	stileid.u32  }
0x7d: {  	s1 =	rddreg [dreg:$0x1];
	p0 =	sne.s32 s2, $0x0  }
0x7e: {  	s3 =	rddreg [dreg:$0x2];
	[bflag:$0x3] =	sbarrier.arrive $0xFFFF;
	s2 =	simm.s32 @!p0 $0x1C01  }
0x7f: {  	[timem:s3], [sflag:s2] =	dma.local @!p0 [hbm:s0], s1  }
0x80: {  	s0 =	simm.s32 @!p0 $0x1  }
0x81: {  	_ =	swait.ge @!p0 [sflag:s0], s1  }
0x82: {  	s1 =	ssub.s32 @!p0 $0x0, s1;
	[sflag:s0] =	ssyncset.done @!p0 $0x0  }
0x83: {  	[sflag:s0] =	ssyncadd.s32 @!p0 s1  }
0x84: {  	[bflag:$0x3] =	sbarrier.arrive $0xFFFF  }
0x85: {  	_ =	shalt  }

</sc_bundles>
